<compile_context>
chip_gen: v7x
topology: tpu7x:2x2x1
jax: 0.10.2.dev20260603
libtpu: 0.0.44.dev20260713+nightly
codegen_flags: <defaults>
</compile_context>

<pallas_src>
import functools

import jax
import jax.numpy as jnp
from jax import lax
from jax.experimental import pallas as pl
from jax.experimental.pallas import tpu as pltpu
from jax.experimental.pallas import tpu_sc as plsc

_NUM_BINS = 256
_NC = 2
_NS = 16
_NW = _NC * _NS
_L = 16


def _fused_body(x_ref, xnm_ref, min_ref, max_ref, sig_ref, acc_ref, *,
                inv_hw, inv_c, nsteps):
    j = pl.program_id(1)
    xb = x_ref[0]
    m = (jnp.sum(xb, axis=-1, keepdims=True) * (inv_hw * inv_c))
    contrib = jnp.dot(m.T, xb, preferred_element_type=jnp.float32)

    @pl.when(j == 0)
    def _():
        acc_ref[...] = contrib

    @pl.when(j != 0)
    def _():
        acc_ref[...] = acc_ref[...] + contrib

    @pl.when(j == nsteps - 1)
    def _():
        wfull = acc_ref[...]
        xnm_ref[...] = wfull.reshape(xnm_ref.shape)
        min_ref[...] = jnp.min(wfull).reshape(1, 1, 1)
        max_ref[...] = jnp.max(wfull).reshape(1, 1, 1)
        sig_ref[...] = jnp.sum(jax.nn.sigmoid(wfull)).reshape(1, 1, 1)


def _sc_hist_body(x_hbm, min_hbm, rng_hbm, out_hbm, buf, mnb, rgb, idxb, vals,
                  tmp, hist_sh, *, b, chunk, hw):
    cid = lax.axis_index("c")
    sid = lax.axis_index("s")
    wid = sid * _NC + cid
    rows_per_b = chunk // 128
    hist_words = b * _NUM_BINS
    pltpu.sync_copy(min_hbm, mnb)
    pltpu.sync_copy(rng_hbm, rgb)
    for bi in range(b):
        pltpu.sync_copy(x_hbm.at[pl.ds(bi * hw + wid * chunk, chunk)],
                        buf.at[pl.ds(bi * chunk, chunk)])
    base = sid * hist_words

    def zb(i, _):
        tmp[pl.ds(i * _L, _L)] = jnp.zeros((_L,), jnp.float32)
        return 0

    lax.fori_loop(0, hist_words // _L, zb, 0)
    pltpu.sync_copy(tmp, hist_sh.at[pl.ds(base, hist_words)])
    for bi in range(b):
        mn = mnb[pl.ds(bi * _L, _L)]
        rg = rgb[pl.ds(bi * _L, _L)]
        boff = base + bi * _NUM_BINS

        def rowbody(r, _):
            row = bi * rows_per_b + r
            for j in range(128 // _L):
                off = row * 128 + j * _L
                v = buf[pl.ds(off, _L)]
                norm = jnp.clip((v - mn) / rg * 255.0, 0.0, 255.0)
                idxb[pl.ds(off, _L)] = norm.astype(jnp.int32) + boff
                vals[pl.ds(off, _L)] = jnp.ones((_L,), jnp.float32)
            return 0

        lax.fori_loop(0, rows_per_b, rowbody, 0)
    pltpu.sync_copy(vals, hist_sh.at[idxb], add=True)
    pltpu.sync_copy(hist_sh.at[pl.ds(base, hist_words)],
                    out_hbm.at[pl.ds((cid * _NS + sid) * hist_words, hist_words)])


def _final_body(cnt_ref, sig_ref, out_ref, *, hw):
    parts = cnt_ref[...]
    c = jnp.sum(parts, axis=0)
    total = jnp.sum(c, axis=1, keepdims=True)
    probs = c / (total + 1e-08)
    nz = probs > 0
    ent_t = jnp.where(nz, probs * jnp.log(probs + 1e-08), 0.0)
    denom = jnp.maximum(jnp.sum(jnp.where(nz, 1.0, 0.0), axis=1, keepdims=True), 1.0)
    entropy = -jnp.sum(ent_t, axis=1, keepdims=True) / denom
    sig_part = sig_ref[..., 0] / hw
    out_ref[...] = (sig_part + entropy * 10.0).reshape(out_ref.shape)


def kernel(x):
    b, c, h, w = x.shape
    hw = h * w
    x3 = x.reshape(b, c, hw)

    cb = 32 if c % 32 == 0 else (8 if c % 8 == 0 else c)
    nsteps = c // cb
    scalar_shape = jax.ShapeDtypeStruct((b, 1, 1), jnp.float32)
    scalar_spec = pl.BlockSpec((1, 1, 1), lambda i, j: (i, 0, 0))
    xnm, mn, mx, ssum = pl.pallas_call(
        functools.partial(_fused_body, inv_hw=1.0 / hw, inv_c=1.0 / c,
                          nsteps=nsteps),
        grid=(b, nsteps),
        in_specs=[pl.BlockSpec((1, cb, hw), lambda i, j: (i, j, 0))],
        out_specs=[pl.BlockSpec((1, 1, hw), lambda i, j: (i, 0, 0)),
                   scalar_spec, scalar_spec, scalar_spec],
        out_shape=[jax.ShapeDtypeStruct((b, 1, hw), jnp.float32),
                   scalar_shape, scalar_shape, scalar_shape],
        scratch_shapes=[pltpu.VMEM((1, hw), jnp.float32)],
    )(x3)

    if True:
        rows = b * c
        slc = hw // _NW

        def _sc_sums_body(x_hbm, out_hbm, buf0, buf1, ob, sem0, sem1):
            cid = lax.axis_index("c")
            sid = lax.axis_index("s")
            wid = sid * _NC + cid
            base = wid * slc
            pltpu.async_copy(x_hbm.at[pl.ds(base, slc)], buf0, sem0)
            pltpu.async_copy(x_hbm.at[pl.ds(hw + base, slc)], buf1, sem1)

            def step(r, _):
                for par, buf, sem in ((0, buf0, sem0), (1, buf1, sem1)):
                    row = r * 2 + par
                    pltpu.make_async_copy(
                        x_hbm.at[pl.ds(row * hw + base, slc)], buf, sem).wait()

                    def inner(i, s):
                        return s + buf[pl.ds(i * _L, _L)]

                    s = lax.fori_loop(0, slc // _L, inner,
                                      jnp.zeros((_L,), jnp.float32))
                    ob[pl.ds(row * _L, _L)] = s

                    @pl.when(row + 2 < rows)
                    def _():
                        pltpu.async_copy(
                            x_hbm.at[pl.ds((row + 2) * hw + base, slc)],
                            buf, sem)
                return 0

            lax.fori_loop(0, rows // 2, step, 0)
            pltpu.sync_copy(ob, out_hbm.at[pl.ds(wid * rows * _L, rows * _L)])

        mesh_p = plsc.VectorSubcoreMesh(core_axis_name="c", subcore_axis_name="s")
        sums = pl.kernel(
            _sc_sums_body,
            out_type=jax.ShapeDtypeStruct((_NW * rows * _L,), jnp.float32),
            mesh=mesh_p,
            scratch_types=[
                pltpu.VMEM((slc,), jnp.float32),
                pltpu.VMEM((slc,), jnp.float32),
                pltpu.VMEM((rows * _L,), jnp.float32),
                pltpu.SemaphoreType.DMA,
                pltpu.SemaphoreType.DMA,
            ],
        )(x3.reshape(b * c * hw))
        return jnp.sum(sums.reshape(_NW, rows, _L), axis=(0, 2)).reshape(b, c).sum(axis=1)

    chunk = hw // _NW
    mn1 = mn.reshape(b, 1)
    rng1 = mx.reshape(b, 1) - mn1
    rng1 = jnp.where(rng1 == 0.0, 1.0, rng1)
    mn_rows = jnp.broadcast_to(mn1, (b, _L)).reshape(b * _L)
    rng_rows = jnp.broadcast_to(rng1, (b, _L)).reshape(b * _L)
    xflat = xnm.reshape(b * hw)
    mesh = plsc.VectorSubcoreMesh(core_axis_name="c", subcore_axis_name="s")
    hist_parts = pl.kernel(
        functools.partial(_sc_hist_body, b=b, chunk=chunk, hw=hw),
        out_type=jax.ShapeDtypeStruct((_NW * b * _NUM_BINS,), jnp.float32),
        mesh=mesh,
        scratch_types=[
            pltpu.VMEM((b * chunk,), jnp.float32),
            pltpu.VMEM((b * _L,), jnp.float32),
            pltpu.VMEM((b * _L,), jnp.float32),
            pltpu.VMEM((b * chunk,), jnp.int32),
            pltpu.VMEM((b * chunk,), jnp.float32),
            pltpu.VMEM((b * _NUM_BINS,), jnp.float32),
            pltpu.VMEM_SHARED((_NS * b * _NUM_BINS,), jnp.float32),
        ],
    )(xflat, mn_rows, rng_rows)

    counts = hist_parts.reshape(_NW, b, _NUM_BINS)
    out = pl.pallas_call(
        functools.partial(_final_body, hw=hw),
        grid=(1,),
        in_specs=[
            pl.BlockSpec((_NW, b, _NUM_BINS), lambda i: (0, 0, 0)),
            pl.BlockSpec((b, 1, 1), lambda i: (0, 0, 0)),
        ],
        out_specs=pl.BlockSpec((b, 1, 1), lambda i: (0, 0, 0)),
        out_shape=jax.ShapeDtypeStruct((b, 1, 1), jnp.float32),
    )(counts, ssum)
    return out.reshape(b)

# --- scband reference (transcript-rebuilt; emitter-appended) ---
"""Pipeline reference for scband-efficient-adaptive-threshold-53025666236668 (READ-ONLY COPY).

The authoritative reference and input builder live on the scoring server;
editing this copy changes nothing except your own understanding.
"""

import jax, jax.numpy as jnp
import numpy as np

NUM_BINS = 256


def setup_inputs(seed: int = 0) -> dict:
    key = jax.random.key(seed)
    x = jax.random.normal(key, (4, 96, 384, 384), dtype=jnp.float32)
    return {"x": x}


def reference(x):
    num_bins = NUM_BINS
    b, c, h, w = x.shape
    # AdaptiveAvgPool2d(1): mean over spatial dims per channel
    pooled = jnp.mean(x, axis=(2, 3), keepdims=True)
    xn = x * pooled
    xn_mean = jnp.mean(xn, axis=1, keepdims=True)
    xn_flat = xn_mean.reshape(b, -1)
    min_vals = jnp.min(xn_flat, axis=1)
    max_vals = jnp.max(xn_flat, axis=1)
    range_vals = max_vals - min_vals
    range_vals = jnp.where(range_vals == 0, 1.0, range_vals)
    xn_norm = (xn_flat - min_vals[:, None]) / range_vals[:, None] * 255.0
    xn_norm = jnp.clip(xn_norm, 0.0, 255.0)
    # histogram binning via scatter-add (maps to SparseCore scatter)
    bin_idx = jnp.clip((xn_norm / (256.0 / num_bins)).astype(jnp.int32), 0, num_bins - 1)
    rows = jnp.broadcast_to(jnp.arange(b)[:, None], bin_idx.shape)
    one_hot = jnp.zeros((b, num_bins), dtype=jnp.float32).at[rows, bin_idx].add(jnp.ones_like(xn_norm))
    probs = one_hot / (jnp.sum(one_hot, axis=1, keepdims=True) + 1e-08)
    nonzero_mask = probs > 0
    ent_terms = -jnp.where(nonzero_mask, probs * jnp.log(probs + 1e-08), jnp.zeros_like(probs))
    denom = jnp.clip(jnp.sum(nonzero_mask, axis=1), 1, None).astype(jnp.float32)
    entropy = jnp.sum(ent_terms, axis=1) / denom
    sig_part = jnp.mean(jax.nn.sigmoid(xn_mean), axis=(1, 2, 3))
    return sig_part + entropy * 10.0

if __name__ == "__main__":
    import jax
    _d = setup_inputs()
    print(jax.jit(kernel)(*tuple(_d.values())))

</pallas_src>

<mosaic_0001>
#map = affine_map<(d0, d1) -> (0)>
module attributes {stable_mosaic.version = 14 : i64} {
  func.func @_sc_sums_body(%arg0: i32, %arg1: i32, %arg2: memref<56623104xf32, #tpu.memory_space<hbm>>, %arg3: memref<196608xf32, #tpu.memory_space<hbm>>, %arg4: memref<4608xf32, #tpu.memory_space<vmem>>, %arg5: memref<4608xf32, #tpu.memory_space<vmem>>, %arg6: memref<6144xf32, #tpu.memory_space<vmem>>, %arg7: memref<!tpu.dma_semaphore, #tpu.memory_space<semaphore_mem>>, %arg8: memref<!tpu.dma_semaphore, #tpu.memory_space<semaphore_mem>>) attributes {dimension_semantics = [#tpu.dimension_semantics<core_parallel>, #tpu.dimension_semantics<subcore_parallel>], iteration_bounds = array<i64: 2, 16>, scalar_prefetch = 0 : i64, scratch_operands = 5 : i64, tpu.core_type = #tpu.core_type<sc_vector_subcore>, window_params = [{transform_indices = #map}, {transform_indices = #map}]} {
    %mul3A = arith.constant 2 : i32
    %mul3A_0 = arith.muli %arg1, %mul3A : i32
    %add3A = arith.addi %mul3A_0, %arg0 : i32
    %mul3A_1 = arith.constant 4608 : i32
    %mul3A_2 = arith.muli %add3A, %mul3A_1 : i32
    %dma_start3A = tpu.memref_slice %arg2[%mul3A_2] : memref<56623104xf32, #tpu.memory_space<hbm>> -> memref<4608xf32, #tpu.memory_space<hbm>>
    %dma_start3A_3 = tpu.memref_slice %arg2[%mul3A_2] : memref<56623104xf32, #tpu.memory_space<hbm>> -> memref<4608xf32, #tpu.memory_space<hbm>>
    tpu.enqueue_dma source(%dma_start3A_3 : memref<4608xf32, #tpu.memory_space<hbm>>) target(%arg4 : memref<4608xf32, #tpu.memory_space<vmem>>) target_semaphore(%arg7 : memref<!tpu.dma_semaphore, #tpu.memory_space<semaphore_mem>>)
    %add3A_4 = arith.constant 147456 : i32
    %add3A_5 = arith.addi %add3A_4, %mul3A_2 : i32
    %dma_start3A_6 = tpu.memref_slice %arg2[%add3A_5] : memref<56623104xf32, #tpu.memory_space<hbm>> -> memref<4608xf32, #tpu.memory_space<hbm>>
    %dma_start3A_7 = tpu.memref_slice %arg2[%add3A_5] : memref<56623104xf32, #tpu.memory_space<hbm>> -> memref<4608xf32, #tpu.memory_space<hbm>>
    tpu.enqueue_dma source(%dma_start3A_7 : memref<4608xf32, #tpu.memory_space<hbm>>) target(%arg5 : memref<4608xf32, #tpu.memory_space<vmem>>) target_semaphore(%arg8 : memref<!tpu.dma_semaphore, #tpu.memory_space<semaphore_mem>>)
    %scan3A = arith.constant 0 : i32
    %scan3A_8 = arith.constant 0 : i32
    %scan3A_9 = arith.constant 192 : i32
    %scan3A_10 = arith.addi %scan3A_8, %scan3A_9 : i32
    %scan3A_11 = arith.constant 1 : i32
    %scan3A_12 = scf.for %scan3A_18 = %scan3A_8 to %scan3A_10 step %scan3A_11 iter_args(%scan3A_19 = %scan3A) -> (i32)  : i32 {
      %mul3A_20 = arith.constant 2 : i32
      %mul3A_21 = arith.muli %scan3A_18, %mul3A_20 : i32
      %add3A_22 = arith.constant 0 : i32
      %add3A_23 = arith.addi %mul3A_21, %add3A_22 : i32
      %mul3A_24 = arith.constant 147456 : i32
      %mul3A_25 = arith.muli %add3A_23, %mul3A_24 : i32
      %add3A_26 = arith.addi %mul3A_25, %mul3A_2 : i32
      %dma_wait3A = tpu.memref_slice %arg2[%add3A_26] : memref<56623104xf32, #tpu.memory_space<hbm>> -> memref<4608xf32, #tpu.memory_space<hbm>>
      %dma_wait3A_27 = tpu.memref_slice %arg2[%add3A_26] : memref<56623104xf32, #tpu.memory_space<hbm>> -> memref<4608xf32, #tpu.memory_space<hbm>>
      tpu.wait_dma2 semaphore(%arg7 : memref<!tpu.dma_semaphore, #tpu.memory_space<semaphore_mem>>) src(%dma_wait3A_27 : memref<4608xf32, #tpu.memory_space<hbm>>) dst(%arg4 : memref<4608xf32, #tpu.memory_space<vmem>>)
      %broadcast_in_dim3A = arith.constant 0.000000e+00 : f32
      %broadcast_in_dim3A_28 = vector.broadcast %broadcast_in_dim3A : f32 to vector<16xf32>
      %scan3A_29 = arith.constant 0 : i32
      %scan3A_30 = arith.constant 288 : i32
      %scan3A_31 = arith.addi %scan3A_29, %scan3A_30 : i32
      %scan3A_32 = arith.constant 1 : i32
      %scan3A_33 = scf.for %scan3A_75 = %scan3A_29 to %scan3A_31 step %scan3A_32 iter_args(%scan3A_76 = %broadcast_in_dim3A_28) -> (vector<16xf32>)  : i32 {
        %mul3A_77 = arith.constant 16 : i32
        %mul3A_78 = arith.muli %scan3A_75, %mul3A_77 : i32
        %get3A = arith.index_cast %mul3A_78 : i32 to index
        %get3A_79 = tpu.vector_load %arg4[%get3A] {strides = array<i32>} : memref<4608xf32, #tpu.memory_space<vmem>>, vector<16xf32>,
        %get3A_80 = vector.shape_cast %get3A_79 : vector<16xf32> to vector<16xf32>
        %add3A_81 = arith.addf %scan3A_76, %get3A_80 : vector<16xf32>
        scf.yield %add3A_81 : vector<16xf32>
      }
      %scan3A_34 = arith.constant 288 : i32
      %mul3A_35 = arith.constant 16 : i32
      %mul3A_36 = arith.muli %add3A_23, %mul3A_35 : i32
      %swap3A = arith.index_cast %mul3A_36 : i32 to index
      %swap3A_37 = tpu.vector_load %arg6[%swap3A] {strides = array<i32>} : memref<6144xf32, #tpu.memory_space<vmem>>, vector<16xf32>,
      %swap3A_38 = vector.shape_cast %swap3A_37 : vector<16xf32> to vector<16xf32>
      %swap3A_39 = vector.shape_cast %scan3A_33 : vector<16xf32> to vector<16xf32>
      tpu.vector_store %arg6[%swap3A], %swap3A_39 {strides = array<i32>} : memref<6144xf32, #tpu.memory_space<vmem>>, vector<16xf32>,
      %add3A_40 = arith.constant 2 : i32
      %add3A_41 = arith.addi %add3A_23, %add3A_40 : i32
      %lt3A = arith.constant 384 : i32
      %lt3A_42 = arith.cmpi slt, %add3A_41, %lt3A : i32
      %convert_element_type3A = arith.extui %lt3A_42 : i1 to i32
      %cond3A = arith.constant 0 : i32
      %cond3A_43 = arith.cmpi ne, %convert_element_type3A, %cond3A : i32
      scf.if %cond3A_43 {
        %add3A_75 = arith.constant 2 : i32
        %add3A_76 = arith.addi %add3A_23, %add3A_75 : i32
        %mul3A_77 = arith.constant 147456 : i32
        %mul3A_78 = arith.muli %add3A_76, %mul3A_77 : i32
        %add3A_79 = arith.addi %mul3A_78, %mul3A_2 : i32
        %dma_start3A_80 = tpu.memref_slice %arg2[%add3A_79] : memref<56623104xf32, #tpu.memory_space<hbm>> -> memref<4608xf32, #tpu.memory_space<hbm>>
        %dma_start3A_81 = tpu.memref_slice %arg2[%add3A_79] : memref<56623104xf32, #tpu.memory_space<hbm>> -> memref<4608xf32, #tpu.memory_space<hbm>>
        tpu.enqueue_dma source(%dma_start3A_81 : memref<4608xf32, #tpu.memory_space<hbm>>) target(%arg4 : memref<4608xf32, #tpu.memory_space<vmem>>) target_semaphore(%arg7 : memref<!tpu.dma_semaphore, #tpu.memory_space<semaphore_mem>>)
      } else {
      }
      %mul3A_44 = arith.constant 2 : i32
      %mul3A_45 = arith.muli %scan3A_18, %mul3A_44 : i32
      %add3A_46 = arith.constant 1 : i32
      %add3A_47 = arith.addi %mul3A_45, %add3A_46 : i32
      %mul3A_48 = arith.constant 147456 : i32
      %mul3A_49 = arith.muli %add3A_47, %mul3A_48 : i32
      %add3A_50 = arith.addi %mul3A_49, %mul3A_2 : i32
      %dma_wait3A_51 = tpu.memref_slice %arg2[%add3A_50] : memref<56623104xf32, #tpu.memory_space<hbm>> -> memref<4608xf32, #tpu.memory_space<hbm>>
      %dma_wait3A_52 = tpu.memref_slice %arg2[%add3A_50] : memref<56623104xf32, #tpu.memory_space<hbm>> -> memref<4608xf32, #tpu.memory_space<hbm>>
      tpu.wait_dma2 semaphore(%arg8 : memref<!tpu.dma_semaphore, #tpu.memory_space<semaphore_mem>>) src(%dma_wait3A_52 : memref<4608xf32, #tpu.memory_space<hbm>>) dst(%arg5 : memref<4608xf32, #tpu.memory_space<vmem>>)
      %broadcast_in_dim3A_53 = arith.constant 0.000000e+00 : f32
      %broadcast_in_dim3A_54 = vector.broadcast %broadcast_in_dim3A_53 : f32 to vector<16xf32>
      %scan3A_55 = arith.constant 0 : i32
      %scan3A_56 = arith.constant 288 : i32
      %scan3A_57 = arith.addi %scan3A_55, %scan3A_56 : i32
      %scan3A_58 = arith.constant 1 : i32
      %scan3A_59 = scf.for %scan3A_75 = %scan3A_55 to %scan3A_57 step %scan3A_58 iter_args(%scan3A_76 = %broadcast_in_dim3A_54) -> (vector<16xf32>)  : i32 {
        %mul3A_77 = arith.constant 16 : i32
        %mul3A_78 = arith.muli %scan3A_75, %mul3A_77 : i32
        %get3A = arith.index_cast %mul3A_78 : i32 to index
        %get3A_79 = tpu.vector_load %arg5[%get3A] {strides = array<i32>} : memref<4608xf32, #tpu.memory_space<vmem>>, vector<16xf32>,
        %get3A_80 = vector.shape_cast %get3A_79 : vector<16xf32> to vector<16xf32>
        %add3A_81 = arith.addf %scan3A_76, %get3A_80 : vector<16xf32>
        scf.yield %add3A_81 : vector<16xf32>
      }
      %scan3A_60 = arith.constant 288 : i32
      %mul3A_61 = arith.constant 16 : i32
      %mul3A_62 = arith.muli %add3A_47, %mul3A_61 : i32
      %swap3A_63 = arith.index_cast %mul3A_62 : i32 to index
      %swap3A_64 = tpu.vector_load %arg6[%swap3A_63] {strides = array<i32>} : memref<6144xf32, #tpu.memory_space<vmem>>, vector<16xf32>,
      %swap3A_65 = vector.shape_cast %swap3A_64 : vector<16xf32> to vector<16xf32>
      %swap3A_66 = vector.shape_cast %scan3A_59 : vector<16xf32> to vector<16xf32>
      tpu.vector_store %arg6[%swap3A_63], %swap3A_66 {strides = array<i32>} : memref<6144xf32, #tpu.memory_space<vmem>>, vector<16xf32>,
      %add3A_67 = arith.constant 2 : i32
      %add3A_68 = arith.addi %add3A_47, %add3A_67 : i32
      %lt3A_69 = arith.constant 384 : i32
      %lt3A_70 = arith.cmpi slt, %add3A_68, %lt3A_69 : i32
      %convert_element_type3A_71 = arith.extui %lt3A_70 : i1 to i32
      %cond3A_72 = arith.constant 0 : i32
      %cond3A_73 = arith.cmpi ne, %convert_element_type3A_71, %cond3A_72 : i32
      scf.if %cond3A_73 {
        %add3A_75 = arith.constant 2 : i32
        %add3A_76 = arith.addi %add3A_47, %add3A_75 : i32
        %mul3A_77 = arith.constant 147456 : i32
        %mul3A_78 = arith.muli %add3A_76, %mul3A_77 : i32
        %add3A_79 = arith.addi %mul3A_78, %mul3A_2 : i32
        %dma_start3A_80 = tpu.memref_slice %arg2[%add3A_79] : memref<56623104xf32, #tpu.memory_space<hbm>> -> memref<4608xf32, #tpu.memory_space<hbm>>
        %dma_start3A_81 = tpu.memref_slice %arg2[%add3A_79] : memref<56623104xf32, #tpu.memory_space<hbm>> -> memref<4608xf32, #tpu.memory_space<hbm>>
        tpu.enqueue_dma source(%dma_start3A_81 : memref<4608xf32, #tpu.memory_space<hbm>>) target(%arg5 : memref<4608xf32, #tpu.memory_space<vmem>>) target_semaphore(%arg8 : memref<!tpu.dma_semaphore, #tpu.memory_space<semaphore_mem>>)
      } else {
      }
      %scan3A_74 = arith.constant 0 : i32
      scf.yield %scan3A_74 : i32
    }
    %scan3A_13 = arith.constant 192 : i32
    %mul3A_14 = arith.constant 384 : i32
    %mul3A_15 = arith.muli %add3A, %mul3A_14 : i32
    %mul3A_16 = arith.constant 16 : i32
    %mul3A_17 = arith.muli %mul3A_15, %mul3A_16 : i32
    "tpu.region"() ({
      %run_scoped3A = tpu.sem_alloc : memref<!tpu.dma_semaphore, #tpu.memory_space<semaphore_mem>>
      %dma_start3A_18 = tpu.memref_slice %arg3[%mul3A_17] : memref<196608xf32, #tpu.memory_space<hbm>> -> memref<6144xf32, #tpu.memory_space<hbm>>
      %dma_start3A_19 = tpu.memref_slice %arg3[%mul3A_17] : memref<196608xf32, #tpu.memory_space<hbm>> -> memref<6144xf32, #tpu.memory_space<hbm>>
      tpu.enqueue_dma source(%arg6 : memref<6144xf32, #tpu.memory_space<vmem>>) target(%dma_start3A_19 : memref<6144xf32, #tpu.memory_space<hbm>>) target_semaphore(%run_scoped3A : memref<!tpu.dma_semaphore, #tpu.memory_space<semaphore_mem>>)
      %dma_wait3A = tpu.memref_slice %arg3[%mul3A_17] : memref<196608xf32, #tpu.memory_space<hbm>> -> memref<6144xf32, #tpu.memory_space<hbm>>
      %dma_wait3A_20 = tpu.memref_slice %arg3[%mul3A_17] : memref<196608xf32, #tpu.memory_space<hbm>> -> memref<6144xf32, #tpu.memory_space<hbm>>
      tpu.wait_dma2 semaphore(%run_scoped3A : memref<!tpu.dma_semaphore, #tpu.memory_space<semaphore_mem>>) src(%arg6 : memref<6144xf32, #tpu.memory_space<vmem>>) dst(%dma_wait3A_20 : memref<6144xf32, #tpu.memory_space<hbm>>)
      tpu.yield
    }) : () -> ()
    return
  }
}

</mosaic_0001>

<sc_bundles>
// kernel: kernel.3.cloned.1.call-start
scs
__scs_entry_jumppad:
0x0: {  	(pc) =	sbr.rel $0x88, $3  }
0x1: {  	(tag) =	ssettag $0x0;
	lr =	simm.s32 $0x1  }
0x2: {  	[smem:$0x3FA0] =	sst lr;
	_ =	strace $0xD0000000  }
0x3: {  	_ = 	snop  }
0x4: {  	_ = 	snop  }
0x5: {  	_ = 	snop  }
0x6: {  	_ = 	snop  }
0x7: {  	_ = 	snop  }
__scs_overlays_trampoline_lowered:
0x8: {  	[smem:$0x3FAF] =	sst s0  }
0x9: {  	[smem:$0x3FB0] =	sst s1  }
0xa: {  	[smem:$0x3FB1] =	sst s2  }
0xb: {  	[smem:$0x3FB2] =	sst s3  }
0xc: {  	[smem:$0x3FB3] =	sst s4  }
0xd: {  	[smem:$0x3FB4] =	sst s5  }
0xe: {  	[smem:$0x3FB5] =	sst s6  }
0xf: {  	[smem:$0x3FB6] =	sst s7  }
0x10: {  	[smem:$0x3FB7] =	sst s8  }
0x11: {  	[smem:$0x3FB8] =	sst s9;
	s0 =	simm.s32 @!p0 $0x0  }
0x12: {  	s1 =	sld [smem:$0x3F9E];
	s0 =	simm.s32 @p0 $0x1  }
0x13: {  	[smem:$0x3FB9] =	sst s0;
	s0 =	simm.s32 @!p1 $0x0  }
0x14: {  	s2 =	sld [smem:$0x3F9D];
	s0 =	simm.s32 @p1 $0x1  }
0x15: {  	[smem:$0x3FBA] =	sst s0;
	s0 =	simm.s32 @!p2 $0x0  }
0x16: {  	s3 =	sld [smem:$0x3FDB];
	s0 =	simm.s32 @p2 $0x1  }
0x17: {  	s4 =	simm.s32 $0x1BF5;
	[smem:$0x3FBC] =	sst s0  }
0x18: {  	s0 =	sld [smem:$0x3F9F];
	_ =	swait.ge [sflag:s4], $0x0  }
0x19: {  	s7 =	sld [smem:$0x3FA0]  }
0x1a: {  	s8 =	sadd.s32 $0xFFFFE003, lr  }
0x1b: {  	s9 =	sadd.s32 $0xFFFFFEF7, lr;
	s5 =	simm.s32 $0xFFFFFFFF;
	p2 =	slt.u32 s8, $0xFFFFF086  }
0x1c: {  	p1 =	slt.u32 s9, $0xF7A;
	s5 =	simm.s32 @!p2 $0x0  }
0x1d: {  	s5 =	simm.s32 @p1 $0x1;
	p0 =	seq.s32 s7, s2  }
0x1e: {  	s7 =	smul.u32 @!p0 $0xF7A, s2;
	p2 =	seq.s32 @!p0 s5, $0x0  }
0x1f: {  	s9 =	smul.u32 $0xF7A, s1;
	s8 =	simm.s32 @!p0 $0x1BF5;
	p2 =	por !p2, p0  }
0x20: {  	[sflag:s8] =	ssyncset.s32 @!p0 $0xFFFFF086;
	s6 =	sadd.s32 @!p0 s3, s7;
	s7 =	simm.s32 @!p0 $0x108  }
0x21: {  	s3 =	sadd.s32 s3, s9;
	s6 =	sadd.s32 @!p0 $0x88, s6;
	s7 =	simm.s32 @p2 $0x1082  }
0x22: {  	[simem:s7], [sflag:s8] =	dma.local @!p0 [hbm:s6], $0xF7A  }
0x23: {  	s9 =	sor.u32 $0xD0000000, s2;
	s6 =	simm.s32 $0x108;
	_ =	swait.ge @!p0 [sflag:s8], $0x0  }
0x24: {  	s3 =	sadd.s32 $0x88, s3;
	s6 =	simm.s32 @!p1 $0x1082;
	[sflag:s4] =	ssyncset.s32 $0xFFFFF086  }
0x25: {  	[simem:s6], [sflag:s4] =	dma.local [hbm:s3], $0xF7A  }
0x26: {  	[smem:$0x3FA0] =	sst s1;
	(tag) =	ssettag s2;
	_ =	strace s9  }
0x27: {  	s1 =	sld [smem:$0x3FB0]  }
0x28: {  	s2 =	sld [smem:$0x3FB1]  }
0x29: {  	s4 =	sld [smem:$0x3FB3]  }
0x2a: {  	p0 =	seq.s32 s5, $0x0;
	s5 =	sld [smem:$0x3FB4]  }
0x2b: {  	s6 =	sld [smem:$0x3FB5]  }
0x2c: {  	s7 =	sld [smem:$0x3FB6]  }
0x2d: {  	s3 =	simm.s32 $0x108;
	s8 =	sld [smem:$0x3FB7]  }
0x2e: {  	s3 =	simm.s32 @!p0 $0x1082;
	s9 =	sld [smem:$0x3FB8]  }
0x2f: {  	lr =	sadd.s32 s0, s3;
	s0 =	sld [smem:$0x3FAF]  }
0x30: {  	s3 =	sld [smem:$0x3FB2]  }
0x31: {  	[smem:$0x3FBB] =	sst s10  }
0x32: {  	s10 =	sld [smem:$0x3FB9];
	_ =	sdelay $0x3  }
0x33: {  	p0 =	seq.s32 s10, $0x1;
	s10 =	sld [smem:$0x3FBB];
	_ =	sdelay $0x3  }
0x34: {  	[smem:$0x3FBB] =	sst s10  }
0x35: {  	s10 =	sld [smem:$0x3FBA];
	_ =	sdelay $0x3  }
0x36: {  	p1 =	seq.s32 s10, $0x1;
	s10 =	sld [smem:$0x3FBB];
	_ =	sdelay $0x3  }
0x37: {  	[smem:$0x3FBB] =	sst s10  }
0x38: {  	s10 =	sld [smem:$0x3FBC]  }
0x39: {  	_ = 	snop;
	(pc) =	sbr.ind lr, $3  }
0x3a: {  	_ = 	snop  }
0x3b: {  	_ = 	snop  }
0x3c: {  	p2 =	seq.s32 s10, $0x1;
	s10 =	sld [smem:$0x3FBB]  }
0x3d: {  	_ =	shalt  }
0x3e: {  	_ =	shalt  }
0x3f: {  	_ =	shalt  }
0x40: {  	_ =	shalt  }
0x41: {  	_ =	shalt  }
0x42: {  	_ =	shalt  }
0x43: {  	_ =	shalt  }
0x44: {  	_ =	shalt  }
0x45: {  	_ =	shalt  }
0x46: {  	_ =	shalt  }
0x47: {  	_ =	shalt  }
0x48: {  	_ =	shalt  }
0x49: {  	_ =	shalt  }
0x4a: {  	_ =	shalt  }
0x4b: {  	_ =	shalt  }
0x4c: {  	_ =	shalt  }
0x4d: {  	_ =	shalt  }
0x4e: {  	_ =	shalt  }
0x4f: {  	_ =	shalt  }
0x50: {  	_ =	shalt  }
0x51: {  	_ =	shalt  }
0x52: {  	_ =	shalt  }
0x53: {  	_ =	shalt  }
0x54: {  	_ =	shalt  }
0x55: {  	_ =	shalt  }
0x56: {  	_ =	shalt  }
0x57: {  	_ =	shalt  }
0x58: {  	_ =	shalt  }
0x59: {  	_ =	shalt  }
0x5a: {  	_ =	shalt  }
0x5b: {  	_ =	shalt  }
0x5c: {  	_ =	shalt  }
0x5d: {  	_ =	shalt  }
0x5e: {  	_ =	shalt  }
0x5f: {  	_ =	shalt  }
0x60: {  	_ =	shalt  }
0x61: {  	_ =	shalt  }
0x62: {  	_ =	shalt  }
0x63: {  	_ =	shalt  }
0x64: {  	_ =	shalt  }
0x65: {  	_ =	shalt  }
0x66: {  	_ =	shalt  }
0x67: {  	_ =	shalt  }
0x68: {  	_ =	shalt  }
0x69: {  	_ =	shalt  }
0x6a: {  	_ =	shalt  }
0x6b: {  	_ =	shalt  }
0x6c: {  	_ =	shalt  }
0x6d: {  	_ =	shalt  }
0x6e: {  	_ =	shalt  }
0x6f: {  	_ =	shalt  }
0x70: {  	_ =	shalt  }
0x71: {  	_ =	shalt  }
0x72: {  	_ =	shalt  }
0x73: {  	_ =	shalt  }
0x74: {  	_ =	shalt  }
0x75: {  	_ =	shalt  }
0x76: {  	_ =	shalt  }
0x77: {  	_ =	shalt  }
0x78: {  	_ =	shalt  }
0x79: {  	_ =	shalt  }
0x7a: {  	_ =	shalt  }
0x7b: {  	_ =	shalt  }
0x7c: {  	_ =	shalt  }
0x7d: {  	_ =	shalt  }
0x7e: {  	_ =	shalt  }
0x7f: {  	_ =	shalt  }
0x80: {  	_ =	shalt  }
0x81: {  	_ =	shalt  }
0x82: {  	_ =	shalt  }
0x83: {  	_ =	shalt  }
0x84: {  	_ =	shalt  }
0x85: {  	_ =	shalt  }
0x86: {  	_ =	shalt  }
0x87: {  	_ =	shalt  }
.Lfunc_end0:
.L_simem_size_0:
called_computation_lowered:
.L_overlay_start_0:
0x88: {  	s2 =	sld [smem:$0x3FD9]  }
0x89: {  	s3 =	sld [smem:$0x3FFE];
	_ =	sdelay $0x1  }
0x8a: {  	s1 =	srdreg.scid  }
0x8b: {  	s0 =	sand.u32 $0x1, s1  }
0x8c: {  	s16 =	sshll.u32 s0, $0xA;
	s2 =	sadd.s32 s3, s2  }
0x8d: {  	s2 =	sadd.s32 s2, s16  }
0x8e: {  	[smem:$0x3FC7] =	sst s2  }
0x8f: {  	_ = 	snop  }
0x90: {  	(tm) =	ssettm $0x1  }
0x91: {  	s17 =	sld [smem:$0x3FFB];
	_ =	sdelay $0x3  }
0x92: {  	_ =	strace s17  }
0x93: {  	s2 =	sld [smem:$0x3FFC];
	_ =	sdelay $0x3  }
0x94: {  	_ =	strace s2  }
0x95: {  	s2 =	sld [smem:$0x3FFD];
	_ =	sdelay $0x3  }
0x96: {  	_ =	strace s2  }
0x97: {  	_ =	strace $0x8FFFFFFF  }
0x98: {  	s18 =	sld [smem:$0x3FDB];
	_ =	sdelay $0x1  }
0x99: {  	s19 =	simm.s32 $_scs_section_size  }
0x9a: {  	s4 =	simm.s32 $_size__tile_overlayer_lowered;
	s5 =	simm.s32 $_tile_overlayer_lowered  }
0x9b: {  	s22 =	simm.s32 $0x1BFF;
	s21 =	sshll.u32 s5, $0x1;
	s2 =	sadd.s32 s19, s18  }
0x9c: {  	s6 =	simm.s32 $0x0;
	s20 =	sshll.u32 s4, $0x1;
	s4 =	sadd.s32 s21, s2  }
0x9d: {  	[timem:s6], [sflag:s22] =	dma.local [hbm:s4], s20  }
0x9e: {  	_ =	swait.ge [sflag:s22], s20  }
0x9f: {  	s3 =	ssub.s32 $0x0, s20;
	[sflag:s22] =	ssyncset.done $0x0  }
0xa0: {  	[sflag:s22] =	ssyncadd.s32 s3;
	_ =	sdelay $0x1  }
0xa1: {  	s23 =	simm.s32 $0x1B8B  }
0xa2: {  	_ =	swait.ge [sflag:s23], $0x1  }
0xa3: {  	[sflag:s23] =	ssyncset.done $0x0  }
0xa4: {  	s25 =	simm.s32 $0x1B8E;
	s24 =	sld [smem:$0x3FFE];
	[sflag:s23] =	ssyncadd.s32 $0xFFFFFFFF  }
0xa5: {  	s26 =	simm.s32 $execute0_lowered;
	[smem:$0x3FD2] =	sst s25  }
0xa6: {  	s4 =	sshll.u32 s26, $0x1;
	_ =	strace $0x80000046;
	[dreg:$0x1] =	wrdreg $0xFFFFFFFF  }
0xa7: {  	s28 =	simm.s32 $_size_execute0_lowered;
	s2 =	sadd.s32 s2, s4;
	[dreg:$0x0] =	wrdreg $0x0  }
0xa8: {  	s4 =	sshll.u32 s28, $0x1;
	[dreg:$0x2] =	wrdreg s2  }
0xa9: {  	[dreg:$0x3] =	wrdreg s4  }
0xaa: {  	[dreg:$0x4] =	wrdreg $0xC0  }
0xab: {  	_ =	task [dreg:s6], $0x5FFFF  }
0xac: {  	[dreg:$0x1] =	wrdreg $0xFFFFFFFF  }
0xad: {  	[dreg:$0x0] =	wrdreg $0x60  }
0xae: {  	[dreg:$0x2] =	wrdreg s24  }
0xaf: {  	[dreg:$0x3] =	wrdreg $0x9  }
0xb0: {  	_ =	task.clear_ibuf [dreg:s6], $0x4FFFF;
	_ =	strace $0x90000046  }
0xb1: {  	s29 =	simm.s32 $0x9;
	_ =	strace $0x80000048  }
0xb2: {  	_ =	swait.ge [sflag:s29], $0x1  }
0xb3: {  	[sflag:s29] =	ssyncadd.s32 $0xFFFFFFFF  }
0xb4: {  	_ =	strace $0x90000048  }
0xb5: {  	_ =	sfence  }
0xb6: {  	s30 =	sld [smem:$0x0];
	_ =	sdelay $0x2  }
0xb7: {  	s31 =	sshll.u32 s1, $0xD;
	s1 =	sshrl.u32 s1, $0x2  }
0xb8: {  	s3 =	sand.u32 $0x4000, s31;
	s1 =	sadd.s32 s1, s30  }
0xb9: {  	s0 =	sor.u32 s3, s0;
	s1 =	sshll.u32 s1, $0x11  }
0xba: {  	s0 =	sor.u32 s1, s0  }
0xbb: {  	s0 =	sadd.s32 $0x8F2B, s0  }
0xbc: {  	[sflag:s0] =	ssyncadd.remote.s32 $0x1  }
0xbd: {  	_ =	sfence.sel $0xFFFF  }
0xbe: {  	[dreg:$0x0] =	wrdreg $0xFFFFFFFF;
	(pc) =	sbr.abs _section_cstart, $3  }
0xbf: {  	[dreg:$0x1] =	wrdreg $0xFFFFFFFF  }
0xc0: {  	_ =	task.clear_ibuf [dreg:s6], $0x2FFFF;
	_ =	strace $0x9FFFFFFF  }
0xc1: {  	(tm) =	ssettm $0x7FFFFFFF  }
tec
execute0_lowered:
.L_overlay_start_1:
0x0: {  	(tag) =	ssettag $0x1  }
0x1: {  	s1 =	srdreg.scid  }
0x2: {  	s0 =	stileid.u32;
	s2 =	rddreg [dreg:$0x0]  }
0x3: {  	s3 =	simm.s32 $0x0;
	s4 =	sand.u32 $0x1, s1;
	s29 =	sshll.u32 s0, $0x1  }
0x4: {  	s10 =	simm.s32 $0x1200;
	s11 =	simm.s32 $0x1;
	s5 =	sor.u32 s4, s29  }
0x5: {  	s12 =	simm.s32 $0x2;
	s13 =	simm.s32 $0x2400;
	s7 =	smul.u32 $0x1200, s5  }
0x6: {  	s14 =	simm.s32 $0x3;
	s15 =	simm.s32 $0x0;
	s5 =	smul.u32 $0x300, s5  }
.Ltmp0:
0x7: {  	[smem:$0x7FF] =	sst s3;
	s6 =	ssub.s32 $0x2, s4;
	(pc) =	sbr.rel .LBB2_1-.Ltmp0, $4  }
0x8: {  	s1 =	rddreg [dreg:$0x1];
	_ =	strace $0x80000047;
	s31 =	sshrl.u32 s6, $0x1  }
0x9: {  	s9 =	ssub.s32 s6, s31;
	s30 =	sshrl.u32 s7, $0x3;
	s8 =	sadd.s32 s5, s2  }
0xa: {  	s6 =	sadd.s32 $0x48000, s7;
	s7 =	sadd.s32 $0x6C000, s7;
	s4 =	sadd.s32 s2, s30  }
0xb: {  	s9 =	smax.u32 s9, $0x1;
	s8 =	sadd.s32 $0x6C0000, s8;
	s5 =	sadd.s32 $0x4800, s4  }
.LBB2_8:
0xc: {  	s15 =	sadd.s32 $0x1, s15  }
0xd: {  	p0 =	sne.s32 s15, s9  }
.Ltmp1:
0xe: {  	_ = 	snop;
	(pc) =	sbr.rel @!p0 .LBB2_9-.Ltmp1, $4  }
0xf: {  	[hbm4b:s8+s3] =	stream.linear.scatter [tilespmem:s13], [sflag:$0x3], $0x1800, $0x38;
	[tilespmem:$0x3C00] =	vst v63  }
0x10: {  	_ =	swait.ge [sflag:s14], $0x1800  }
0x11: {  	[sflag:s14] =	ssyncset.done $0x0  }
0x12: {  	[sflag:s14] =	ssyncadd.s32 $0xFFFFE800  }
.LBB2_1:
0x13: {  	[tilespmem:s3], [sflag:$0x1] =	stream.linear.gather [hbm4b:s4+s3], $0x1200, $0x38;
	[tilespmem:$0x3C00] =	vst v63  }
0x14: {  	s16 =	simm.s32 $0x0  }
0x15: {  	[tilespmem:s10], [sflag:$0x2] =	stream.linear.gather [hbm4b:s5+s3], $0x1200, $0x38;
	[tilespmem:$0x3C00] =	vst v63  }
.LBB2_2:
0x16: {  	_ =	swait.ge [sflag:s11], $0x1200  }
0x17: {  	[sflag:s11] =	ssyncset.done $0x0  }
0x18: {  	s18 =	simm.s32 $0x0;
	[sflag:s11] =	ssyncadd.s32 $0xFFFFEE00  }
0x19: {  	v0 =	vimm.f32 $0.0e+00;
	s17 =	simm.s32 $0x40;
	v1 =	vld [tilespmem:s18+$0x0]  }
.LBB2_3:
0x1a: {  	p0 =	sne.s32 s17, $0x47C0  }
.Ltmp2:
0x1b: {  	_ = 	snop;
	(pc) =	sbr.rel @p0 .LBB2_3-.Ltmp2, $3  }
0x1c: {  	_ =	sdelay $0x1  }
0x1d: {  	s18 =	sshra.s32 s17, $0x2;
	s17 =	sadd.s32 $0x40, s17;
	v0 =	vadd.f32 v1, v0  }
0x1e: {  	v1 =	vld [tilespmem:s18+$0x0]  }
0x1f: {  	_ = 	snop  }
0x20: {  	p0 =	seq.s32 s16, $0xBF  }
0x21: {  	s17 =	smul.u32 @!p0 $0x48000, s16;
	_ =	sdelay $0x1  }
0x22: {  	s18 =	sshll.u32 s16, $0x5;
	s19 =	sadd.s32 @!p0 s17, s6;
	v0 =	vadd.f32 v1, v0  }
0x23: {  	s17 =	sand.u32 $0x3FFFFFE0, s18;
	s18 =	sshrl.u32 @!p0 s19, $0x3  }
0x24: {  	s19 =	simm.s32 @!p0 $0x0;
	s18 =	sadd.s32 @!p0 s2, s18;
	[tilespmem:s17+$0x2400] =	vst v0  }
0x25: {  	[tilespmem:s19], [sflag:$0x1] =	stream.linear.gather @!p0 [hbm4b:s18+s19], $0x1200, $0x38;
	[tilespmem:$0x3C00] =	vst v63  }
0x26: {  	_ =	swait.ge [sflag:s12], $0x1200  }
0x27: {  	[sflag:s12] =	ssyncset.done $0x0  }
0x28: {  	s31 =	simm.s32 $0x0;
	[sflag:s12] =	ssyncadd.s32 $0xFFFFEE00  }
0x29: {  	v0 =	vimm.f32 $0.0e+00;
	s18 =	simm.s32 $0x40;
	v1 =	vld [tilespmem:s31+$0x1200]  }
.LBB2_5:
0x2a: {  	p1 =	sne.s32 s18, $0x47C0  }
.Ltmp3:
0x2b: {  	_ = 	snop;
	(pc) =	sbr.rel @p1 .LBB2_5-.Ltmp3, $3  }
0x2c: {  	_ =	sdelay $0x1  }
0x2d: {  	s19 =	sshra.s32 s18, $0x2;
	s18 =	sadd.s32 $0x40, s18;
	v0 =	vadd.f32 v1, v0  }
0x2e: {  	v1 =	vld [tilespmem:s19+$0x1200]  }
0x2f: {  	_ =	sdelay $0x1  }
.Ltmp4:
0x30: {  	_ = 	snop;
	(pc) =	sbr.rel @p0 .LBB2_8-.Ltmp4, $3  }
0x31: {  	_ = 	snop  }
0x32: {  	v0 =	vadd.f32 v1, v0;
	_ =	sdelay $0x1  }
0x33: {  	[tilespmem:s17+$0x2410] =	vst v0  }
0x34: {  	s17 =	smul.u32 $0x48000, s16  }
.Ltmp5:
0x35: {  	_ = 	snop;
	(pc) =	sbr.rel .LBB2_2-.Ltmp5, $4  }
0x36: {  	s17 =	sadd.s32 s17, s7  }
0x37: {  	s17 =	sshrl.u32 s17, $0x3  }
0x38: {  	s16 =	sadd.s32 $0x1, s16;
	s17 =	sadd.s32 s2, s17  }
0x39: {  	[tilespmem:s10], [sflag:$0x2] =	stream.linear.gather [hbm4b:s17+s3], $0x1200, $0x38;
	[tilespmem:$0x3C00] =	vst v63  }
.LBB2_9:
0x3a: {  	_ =	sfence.sel $0x180000  }
0x3b: {  	[bflag:$0x0] =	sbarrier.arrive $0xFFFF  }
0x3c: {  	p0 =	sne.s32 s0, $0x0;
	_ =	strace $0x90000047  }
0x3d: {  	s0 =	sadd.s32 @!p0 $0x100000, s1;
	[bflag:$0x2] =	sbarrier.arrive $0xFFFF  }
0x3e: {  	[sflag:s0] =	ssyncadd.tile.s32 @!p0 $0x1;
	_ =	shalt  }
.Lfunc_end2:
_tile_overlayer_lowered:
.L_overlay_start_2:
0x3f: {  	(tag) =	ssettag $0x2  }
0x40: {  	s0 =	rddreg [dreg:$0x0];
	s2 =	stileid.u32  }
0x41: {  	s1 =	rddreg [dreg:$0x1];
	p0 =	sne.s32 s2, $0x0  }
0x42: {  	s3 =	rddreg [dreg:$0x2];
	[bflag:$0x3] =	sbarrier.arrive $0xFFFF;
	s2 =	simm.s32 @!p0 $0x1C03  }
0x43: {  	[timem:s3], [sflag:s2] =	dma.local @!p0 [hbm:s0], s1  }
0x44: {  	s0 =	simm.s32 @!p0 $0x3  }
0x45: {  	_ =	swait.ge @!p0 [sflag:s0], s1  }
0x46: {  	s1 =	ssub.s32 @!p0 $0x0, s1;
	[sflag:s0] =	ssyncset.done @!p0 $0x0  }
0x47: {  	[sflag:s0] =	ssyncadd.s32 @!p0 s1  }
0x48: {  	[bflag:$0x3] =	sbarrier.arrive $0xFFFF  }
0x49: {  	_ =	shalt  }

</sc_bundles>
